<compile_context>
chip_gen: v7x
topology: tpu7x:2x2x1
jax: 0.10.2.dev20260603
libtpu: 0.0.44.dev20260713+nightly
codegen_flags: <defaults>
</compile_context>

<pallas_src>
import math

import jax
import jax.numpy as jnp
from jax.experimental import pallas as pl
from jax.experimental.pallas import tpu as pltpu

D = 1024
ROWS = 2 * 4096 - 1
BATCH = 4
BLOCK_ROWS = 512
GRID = (ROWS + BLOCK_ROWS - 1) // BLOCK_ROWS
SCALE = math.sqrt(D)


def _body(w_ref, o0, o1, o2, o3):
    v = w_ref[...] * SCALE
    o0[...] = v
    o1[...] = v
    o2[...] = v
    o3[...] = v


def _tc_embed(weights):
    spec = pl.BlockSpec((BLOCK_ROWS, D), lambda i: (i, 0))
    shp = jax.ShapeDtypeStruct((ROWS, D), jnp.float32)
    outs = pl.pallas_call(
        _body,
        grid=(GRID,),
        in_specs=[spec],
        out_specs=[spec] * BATCH,
        out_shape=[shp] * BATCH,
        compiler_params=pltpu.CompilerParams(
            dimension_semantics=("arbitrary",),
        ),
    )(weights)
    return jnp.stack(outs, axis=0)


def kernel(input, weights):
    del input
    return _tc_embed(weights)

# --- scband reference (transcript-rebuilt; emitter-appended) ---
"""Pipeline reference for scband-sinusoidal-relative-positional-embedding-14001593385259 (READ-ONLY COPY).

The authoritative reference and input builder live on the scoring server;
editing this copy changes nothing except your own understanding.
"""

import math
import jax, jax.numpy as jnp
import numpy as np

EMBEDDING_DIM = 1024
BATCH = 4
SEQ_LEN = 4096


def get_embedding(seq_len, embedding_dim):
    half_dim = embedding_dim // 2
    emb = math.log(10000) / (half_dim - 1)
    emb = jnp.exp(jnp.arange(half_dim, dtype=jnp.float32) * -emb)
    emb = jnp.arange(seq_len, dtype=jnp.float32)[:, None] * emb[None, :]
    emb_pos = jnp.concatenate([jnp.sin(emb), jnp.cos(emb)], axis=1).reshape(seq_len, -1)
    emb_neg = jnp.concatenate([jnp.sin(-emb), jnp.cos(-emb)], axis=1).reshape(seq_len, -1)
    if embedding_dim % 2 == 1:
        emb_pos = jnp.concatenate([emb_pos, jnp.zeros((seq_len, 1), dtype=jnp.float32)], axis=1)
        emb_neg = jnp.concatenate([emb_neg, jnp.zeros((seq_len, 1), dtype=jnp.float32)], axis=1)
    emb_neg = jnp.flip(emb_neg, axis=0)
    emb_pos = emb_pos[1:]
    return jnp.concatenate([emb_neg, emb_pos], axis=0)


def setup_inputs(seed: int = 0) -> dict:
    key = jax.random.key(seed)
    k1, _ = jax.random.split(key)
    inp = jax.random.randint(k1, (BATCH, SEQ_LEN), 0, 32000, dtype=jnp.int32)
    # weights table as regenerated by forward for src_len = SEQ_LEN: shape (2*SEQ_LEN-1, D)
    weights = get_embedding(SEQ_LEN, EMBEDDING_DIM)
    return {"input": inp, "weights": weights}


def reference(input, weights):
    bsz, seq_len = input.shape
    src_len = seq_len
    max_positions = weights.shape[0]
    # padding_idx is None, max_size is None
    start = max_positions // 2 - src_len + 1
    end = max_positions // 2 + src_len
    positions = jnp.arange(start, end)
    embedding_scale = math.sqrt(weights.shape[1])
    used_weights = jnp.take(weights, positions, axis=0) * embedding_scale
    out = jnp.broadcast_to(used_weights[None, :, :], (bsz, used_weights.shape[0], used_weights.shape[1]))
    return out

if __name__ == "__main__":
    import jax
    _d = setup_inputs()
    print(jax.jit(kernel)(*tuple(_d.values())))

</pallas_src>

<mosaic_0001>
module attributes {stable_mosaic.version = 14 : i64} {
  func.func @_body(%arg0: i32, %arg1: memref<512x1024xf32, #tpu.memory_space<vmem>>, %arg2: memref<512x1024xf32, #tpu.memory_space<vmem>>, %arg3: memref<512x1024xf32, #tpu.memory_space<vmem>>, %arg4: memref<512x1024xf32, #tpu.memory_space<vmem>>, %arg5: memref<512x1024xf32, #tpu.memory_space<vmem>>) attributes {dimension_semantics = [#tpu.dimension_semantics<arbitrary>], iteration_bounds = array<i64: 16>, scalar_prefetch = 0 : i64, scratch_operands = 0 : i64, tpu.core_type = #tpu.core_type<tc>, window_params = [{transform_indices = @transform_0, window_bounds = array<i64: 512, 1024>}, {transform_indices = @transform_1, window_bounds = array<i64: 512, 1024>}, {transform_indices = @transform_2, window_bounds = array<i64: 512, 1024>}, {transform_indices = @transform_3, window_bounds = array<i64: 512, 1024>}, {transform_indices = @transform_4, window_bounds = array<i64: 512, 1024>}]} {
    %get3A = arith.constant 0 : index
    %get3A_0 = arith.constant 0 : index
    %get3A_1 = vector.load %arg1[%get3A, %get3A_0] : memref<512x1024xf32, #tpu.memory_space<vmem>>, vector<512x1024xf32>
    %mul3A = arith.constant 3.200000e+01 : f32
    %mul3A_2 = vector.broadcast %mul3A : f32 to vector<512x1024xf32>
    %mul3A_3 = arith.mulf %get3A_1, %mul3A_2 : vector<512x1024xf32>
    %swap3A = arith.constant 0 : index
    %swap3A_4 = arith.constant 0 : index
    %swap3A_5 = vector.load %arg2[%swap3A, %swap3A_4] : memref<512x1024xf32, #tpu.memory_space<vmem>>, vector<512x1024xf32>
    tpu.vector_store %arg2[%swap3A, %swap3A_4], %mul3A_3 {strides = array<i32>} : memref<512x1024xf32, #tpu.memory_space<vmem>>, vector<512x1024xf32>,
    %swap3A_6 = arith.constant 0 : index
    %swap3A_7 = arith.constant 0 : index
    %swap3A_8 = vector.load %arg3[%swap3A_6, %swap3A_7] : memref<512x1024xf32, #tpu.memory_space<vmem>>, vector<512x1024xf32>
    tpu.vector_store %arg3[%swap3A_6, %swap3A_7], %mul3A_3 {strides = array<i32>} : memref<512x1024xf32, #tpu.memory_space<vmem>>, vector<512x1024xf32>,
    %swap3A_9 = arith.constant 0 : index
    %swap3A_10 = arith.constant 0 : index
    %swap3A_11 = vector.load %arg4[%swap3A_9, %swap3A_10] : memref<512x1024xf32, #tpu.memory_space<vmem>>, vector<512x1024xf32>
    tpu.vector_store %arg4[%swap3A_9, %swap3A_10], %mul3A_3 {strides = array<i32>} : memref<512x1024xf32, #tpu.memory_space<vmem>>, vector<512x1024xf32>,
    %swap3A_12 = arith.constant 0 : index
    %swap3A_13 = arith.constant 0 : index
    %swap3A_14 = vector.load %arg5[%swap3A_12, %swap3A_13] : memref<512x1024xf32, #tpu.memory_space<vmem>>, vector<512x1024xf32>
    tpu.vector_store %arg5[%swap3A_12, %swap3A_13], %mul3A_3 {strides = array<i32>} : memref<512x1024xf32, #tpu.memory_space<vmem>>, vector<512x1024xf32>,
    return
  }
  func.func @transform_0(%arg0: i32) -> (i32, i32) {
    %c0_i32 = arith.constant 0 : i32
    %c0_i32_0 = arith.constant 0 : i32
    return %arg0, %c0_i32 : i32, i32
  }
  func.func @transform_1(%arg0: i32) -> (i32, i32) {
    %c0_i32 = arith.constant 0 : i32
    %c0_i32_0 = arith.constant 0 : i32
    return %arg0, %c0_i32 : i32, i32
  }
  func.func @transform_2(%arg0: i32) -> (i32, i32) {
    %c0_i32 = arith.constant 0 : i32
    %c0_i32_0 = arith.constant 0 : i32
    return %arg0, %c0_i32 : i32, i32
  }
  func.func @transform_3(%arg0: i32) -> (i32, i32) {
    %c0_i32 = arith.constant 0 : i32
    %c0_i32_0 = arith.constant 0 : i32
    return %arg0, %c0_i32 : i32, i32
  }
  func.func @transform_4(%arg0: i32) -> (i32, i32) {
    %c0_i32 = arith.constant 0 : i32
    %c0_i32_0 = arith.constant 0 : i32
    return %arg0, %c0_i32 : i32, i32
  }
}

</mosaic_0001>

<sc_bundles>
// kernel: sparse-core-data-format-call.cloned.1.call-start
scs
called_computation_lowered:
.L_overlay_start_0:
0x0: {  	s2 =	sld [smem:$0x3FD9]  }
0x1: {  	s3 =	sld [smem:$0x3FFE];
	_ =	sdelay $0x1  }
0x2: {  	s1 =	srdreg.scid  }
0x3: {  	s0 =	sand.u32 $0x1, s1  }
0x4: {  	s18 =	sshll.u32 s0, $0xA;
	s2 =	sadd.s32 s3, s2  }
0x5: {  	s2 =	sadd.s32 s2, s18  }
0x6: {  	[smem:$0x3FC7] =	sst s2  }
0x7: {  	_ = 	snop  }
0x8: {  	s2 =	sld [smem:$0x3FD0];
	(tm) =	ssettm $0x1  }
0x9: {  	s19 =	sld [smem:$0x3FFB];
	_ =	sdelay $0x3  }
0xa: {  	_ =	strace s19  }
0xb: {  	s3 =	sld [smem:$0x3FFC];
	_ =	sdelay $0x3  }
0xc: {  	_ =	strace s3  }
0xd: {  	s3 =	sld [smem:$0x3FFD];
	_ =	sdelay $0x3  }
0xe: {  	_ =	strace s3  }
0xf: {  	_ =	strace $0x8FFFFFFF  }
0x10: {  	s20 =	sld [smem:$0x3FDB];
	_ =	sdelay $0x1  }
0x11: {  	s4 =	simm.s32 $_scs_section_size  }
0x12: {  	s5 =	simm.s32 $_size__tile_overlayer_lowered;
	s6 =	simm.s32 $_tile_overlayer_lowered  }
0x13: {  	s23 =	simm.s32 $0x1BFF;
	s22 =	sshll.u32 s6, $0x1;
	s3 =	sadd.s32 s4, s20  }
0x14: {  	s7 =	simm.s32 $0x0;
	s21 =	sshll.u32 s5, $0x1;
	s5 =	sadd.s32 s22, s3  }
0x15: {  	[timem:s7], [sflag:s23] =	dma.local [hbm:s5], s21  }
0x16: {  	_ =	swait.ge [sflag:s23], s21  }
0x17: {  	s4 =	ssub.s32 $0x0, s21;
	[sflag:s23] =	ssyncset.done $0x0  }
0x18: {  	[sflag:s23] =	ssyncadd.s32 s4;
	_ =	sdelay $0x1  }
0x19: {  	s24 =	simm.s32 $0x1B8B  }
0x1a: {  	_ =	swait.ge [sflag:s24], $0x1  }
0x1b: {  	[sflag:s24] =	ssyncset.done $0x0  }
0x1c: {  	s26 =	simm.s32 $0x1B8E;
	s25 =	sld [smem:$0x3FFE];
	[sflag:s24] =	ssyncadd.s32 $0xFFFFFFFF  }
0x1d: {  	s27 =	simm.s32 $execute0_lowered;
	[smem:$0x3FD2] =	sst s26  }
0x1e: {  	s5 =	sshll.u32 s27, $0x1;
	_ =	strace $0x80000046;
	[dreg:$0x1] =	wrdreg $0xFFFFFFFF  }
0x1f: {  	s28 =	simm.s32 $_size_execute0_lowered;
	s3 =	sadd.s32 s3, s5;
	[dreg:$0x0] =	wrdreg $0x0  }
0x20: {  	s5 =	sshll.u32 s28, $0x1;
	[dreg:$0x2] =	wrdreg s3  }
0x21: {  	[dreg:$0x3] =	wrdreg s5  }
0x22: {  	[dreg:$0x4] =	wrdreg $0xC0  }
0x23: {  	_ =	task [dreg:s7], $0x5FFFF  }
0x24: {  	[dreg:$0x1] =	wrdreg $0xFFFFFFFF  }
0x25: {  	[dreg:$0x0] =	wrdreg $0x60  }
0x26: {  	[dreg:$0x2] =	wrdreg s25  }
0x27: {  	[dreg:$0x3] =	wrdreg s2  }
0x28: {  	[dreg:$0x4] =	wrdreg $0x9  }
0x29: {  	_ =	task.clear_ibuf [dreg:s7], $0x5FFFF;
	_ =	strace $0x90000046  }
0x2a: {  	s29 =	simm.s32 $0x9;
	_ =	strace $0x80000048  }
0x2b: {  	_ =	swait.ge [sflag:s29], $0x1  }
0x2c: {  	[sflag:s29] =	ssyncadd.s32 $0xFFFFFFFF  }
0x2d: {  	_ =	strace $0x90000048  }
0x2e: {  	_ =	sfence  }
0x2f: {  	s30 =	sld [smem:$0x0];
	_ =	sdelay $0x2  }
0x30: {  	s31 =	sshll.u32 s1, $0xD;
	s1 =	sshrl.u32 s1, $0x2  }
0x31: {  	s3 =	sand.u32 $0x4000, s31;
	s1 =	sadd.s32 s1, s30  }
0x32: {  	s0 =	sor.u32 s3, s0;
	s1 =	sshll.u32 s1, $0x11  }
0x33: {  	s0 =	sor.u32 s1, s0  }
0x34: {  	s0 =	sadd.s32 $0x8F2B, s0  }
0x35: {  	[sflag:s0] =	ssyncadd.remote.s32 $0x1  }
0x36: {  	_ =	sfence.sel $0xFFFF  }
0x37: {  	[dreg:$0x0] =	wrdreg $0xFFFFFFFF;
	(pc) =	sbr.abs _section_cstart, $3  }
0x38: {  	[dreg:$0x1] =	wrdreg $0xFFFFFFFF  }
0x39: {  	_ =	task.clear_ibuf [dreg:s7], $0x2FFFF;
	_ =	strace $0x9FFFFFFF  }
0x3a: {  	(tm) =	ssettm $0x7FFFFFFF  }
0x3b: {  	_ =	shalt  }
tec
execute0_lowered:
.L_overlay_start_1:
0x0: {  	(tag) =	ssettag $0x1  }
0x1: {  	s3 =	rddreg [dreg:$0x0]  }
0x2: {  	s2 =	rddreg [dreg:$0x1]  }
0x3: {  	s0 =	rddreg [dreg:$0x2];
	_ =	strace $0x80000047;
	s1 =	stileid.u32  }
0x4: {  	s5 =	srdreg.scid;
	s31 =	simm.s32 $0x2;
	s15 =	simm.s32 $0x0  }
0x5: {  	p0 =	por $0x0, $0x0;
	s17 =	simm.s32 $0x0;
	s16 =	simm.s32 $0x0  }
0x6: {  	s8 =	simm.s32 $0x0;
	s10 =	simm.s32 $0x0;
	s11 =	simm.s32 $0x0  }
.Ltmp0:
0x7: {  	s12 =	simm.s32 $0x0;
	s9 =	simm.s32 $0x0;
	(pc) =	sbr.rel .LBB1_1-.Ltmp0, $4  }
0x8: {  	s3 =	sadd.s32 $0x300600, s3;
	s6 =	sshll.u32 s1, $0x5;
	s7 =	sshll.u32 s5, $0x9  }
0x9: {  	s4 =	sand.u32 $0x3, s1;
	s5 =	simm.s32 $0x1;
	s6 =	sor.u32 s6, s7  }
0xa: {  	[sflag:s5] =	ssyncpa.u1 $0x0;
	s7 =	simm.s32 $0x1000;
	s6 =	sand.u32 $0x380, s6  }
0xb: {  	s14 =	smov.u32 s4;
	[sflag:s31] =	ssyncpa.u1 $0x0;
	s13 =	smov.u32 s6  }
.LBB1_5:
0xc: {  	p1 =	slt.u32 s9, $0x2  }
0xd: {  	s18 =	smov.u32 s17;
	p2 =	sgt.s32 @!p1 s17, $0x1F7F  }
0xe: {  	s19 =	sshra.s32 @!p1 s17, $0x1F;
	s20 =	sshra.s32 @!p1 s16, $0x1F;
	p2 =	por !p2, p1  }
0xf: {  	s17 =	sand.u32 @!p1 s19, s17;
	s18 =	simm.s32 @p2 $0x1F7F;
	p2 =	sgt.s32 @!p1 s16, $0x3  }
0x10: {  	s19 =	smov.u32 s16;
	p2 =	por !p2, p1;
	s17 =	ssub.s32 @!p1 s18, s17  }
0x11: {  	s16 =	sand.u32 @!p1 s20, s16;
	s19 =	simm.s32 @p2 $0x3;
	s18 =	sadd.s32 @!p1 $0xFFFFE081, s17  }
0x12: {  	p2 =	sgt.s32 @!p1 s15, $0x380;
	s16 =	ssub.s32 @!p1 s19, s16;
	p3 =	sgt.s32 @!p1 s18, $0x7F  }
0x13: {  	p2 =	por !p2, p1;
	s19 =	smov.u32 s15;
	s18 =	sadd.s32 @!p1 $0xFFFFFFFD, s16  }
0x14: {  	s19 =	simm.s32 @p2 $0x380;
	p2 =	sgt.s32 @!p1 s18, $0x0;
	s18 =	sshra.s32 @!p1 s15, $0x1F  }
0x15: {  	s17 =	ssub.s32 @!p1 $0x1FFF, s17;
	p3 =	por !p3, p1;
	s15 =	sand.u32 @!p1 s18, s15  }
0x16: {  	s16 =	ssub.s32 @!p1 $0x4, s16;
	p2 =	por !p2, p1;
	s15 =	ssub.s32 @!p1 s19, s15  }
0x17: {  	s17 =	simm.s32 @!p3 $0x0;
	s16 =	simm.s32 @!p2 $0x0;
	s18 =	sadd.s32 @!p1 $0xFFFFFC80, s15  }
0x18: {  	s19 =	smov.u32 s13;
	s16 =	smul.u32 @!p1 s16, s17;
	p2 =	sgt.s32 @!p1 s18, $0x7F  }
0x19: {  	s15 =	ssub.s32 @!p1 $0x400, s15;
	s18 =	sadd.s32 $0x80, s12;
	p2 =	por !p2, p1  }
0x1a: {  	s17 =	sadd.s32 $0x400, s13;
	s15 =	simm.s32 @!p2 $0x0;
	p2 =	sgt.s32 s18, $0x3FF  }
0x1b: {  	s20 =	smov.u32 s14;
	s19 =	smov.u32 @p2 s17  }
0x1c: {  	s15 =	smul.u32 @!p1 s15, s16;
	s16 =	sadd.s32 $0x4, s14;
	p3 =	sgt.s32 s19, $0x1FFE  }
0x1d: {  	s9 =	sadd.s32 $0x1, s9;
	p0 =	por !p0, !p0;
	s20 =	smov.u32 @p3 s16  }
0x1e: {  	s21 =	simm.s32 @!p1 $0x2;
	s18 =	simm.s32 @p2 $0x0;
	p2 =	sgt.s32 s20, $0x3  }
0x1f: {  	s17 =	smov.u32 s10;
	s20 =	smov.u32 @p2 s4;
	p2 =	sne.s32 s9, $0x42  }
.Ltmp1:
0x20: {  	s10 =	smov.u32 s13;
	s15 =	sand.u32 @!p1 $0x3FFFFFFF, s15;
	(pc) =	sbr.rel @!p2 .LBB1_6-.Ltmp1, $4  }
0x21: {  	s19 =	smov.u32 @p3 s6;
	s16 =	smov.u32 s11;
	s11 =	smov.u32 s14  }
0x22: {  	_ =	swait.ge @!p1 [sflag:s21], s15;
	s22 =	ssub.s32 @!p1 $0x0, s15;
	s15 =	smov.u32 s8  }
0x23: {  	s8 =	smov.u32 s12;
	s12 =	smov.u32 s18;
	[sflag:s21] =	ssyncset.done @!p1 $0x0  }
0x24: {  	s13 =	smov.u32 s19;
	[sflag:s21] =	ssyncadd.s32 @!p1 s22;
	s14 =	smov.u32 s20  }
.LBB1_1:
0x25: {  	p1 =	sgt.u32 s9, $0x3F  }
0x26: {  	s18 =	sshll.u32 @!p1 s13, $0x7  }
0x27: {  	s19 =	sxor.u32 @!p1 $0xFFFFFFFF, s9;
	s20 =	sand.u32 @!p1 $0x78, s12;
	s21 =	sand.u32 @!p1 $0x380, s18  }
0x28: {  	s19 =	sshll.u32 @!p1 s19, $0xE;
	s20 =	sor.u32 @!p1 s20, s21;
	s21 =	sshll.u32 @!p1 s14, $0x14  }
0x29: {  	s18 =	sand.u32 @!p1 $0xFFC00, s18;
	s20 =	sshrl.u32 @!p1 s20, $0x3;
	s21 =	sadd.s32 @!p1 s3, s21  }
0x2a: {  	s18 =	sadd.s32 @!p1 s12, s18;
	s20 =	sadd.s32 @!p1 s20, s21;
	s21 =	sand.u32 @!p1 $0x7, s12  }
0x2b: {  	s19 =	sand.u32 @!p1 $0x4000, s19;
	s18 =	sand.u32 @!p1 $0xFFF80, s18;
	s21 =	sshll.u32 @!p1 s21, $0x12  }
0x2c: {  	s18 =	sadd.s32 @!p1 s18, s20;
	s20 =	sor.u32 @!p1 $0x400, s21;
	s21 =	simm.s32 @!p1 $0x2000  }
0x2d: {  	[tilespmem:s19], [sflag:$0x1] =	stream.strided.gather @!p1 [hbm4b:s18+s20], $0x4000, s21, s20, $0x38;
	[tilespmem:$0x10000] =	vst v63  }
0x2e: {  	p1 =	seq.s32 s9, $0x0  }
0x2f: {  	p2 =	seq.s32 @!p1 s9, $0x41  }
0x30: {  	p1 =	por p1, p2  }
.Ltmp2:
0x31: {  	_ = 	snop;
	(pc) =	sbr.rel @p1 .LBB1_5-.Ltmp2, $1  }
0x32: {  	_ =	sdelay $0x3  }
0x33: {  	s18 =	simm.s32 $0x1  }
0x34: {  	s18 =	simm.s32 @!p0 $0x0  }
0x35: {  	s18 =	sshll.u32 s18, $0xE  }
0x36: {  	s19 =	sor.u32 $0x40, s18  }
0x37: {  	v1 =	vmov s19;
	_ =	sdelay $0x1  }
0x38: {  	_ =	swait.ge [sflag:s5], $0x4000  }
0x39: {  	[sflag:s5] =	ssyncset.done $0x0  }
0x3a: {  	s20 =	simm.s32 $0x0;
	[sflag:s5] =	ssyncadd.s32 $0xFFFFC000  }
0x3b: {  	s18 =	sor.u32 $0x8070, s18;
	v4 =	vld.idx.msk [tilespmem:v1+s20+$0x30 ss:$0x1], $0xffff  }
0x3c: {  	v0 =	vmov s18;
	v8 =	vld.idx.msk [tilespmem:v1+s20+$0xFFFFFFC0 ss:$0x1], $0xffff  }
0x3d: {  	v7 =	vld.idx.msk [tilespmem:v1+s20+$0xFFFFFFD0 ss:$0x1], $0xffff  }
0x3e: {  	v6 =	vld.idx.msk [tilespmem:v1+s20+$0xFFFFFFE0 ss:$0x1], $0xffff  }
0x3f: {  	v5 =	vld.idx.msk [tilespmem:v1+s20+$0xFFFFFFF0 ss:$0x1], $0xffff  }
0x40: {  	s31 =	sshll.u32 s9, $0xE;
	v3 =	vld.idx.msk [tilespmem:v1+s20+$0x0 ss:$0x1], $0xffff  }
0x41: {  	s18 =	sand.u32 $0x4000, s31;
	v2 =	vld.idx.msk [tilespmem:v1+s20+$0x10 ss:$0x1], $0xffff;
	[tilespmem:v0+s20+$0x0 ss:$0x1] =	vst.idx.msk $0xffff, v4  }
0x42: {  	s21 =	simm.s32 $0x400;
	s19 =	simm.s32 $0x80;
	s18 =	sor.u32 $0x8000, s18;
	[tilespmem:v0+s20+$0xFFFFFF90 ss:$0x1] =	vst.idx.msk $0xffff, v8;
	v4 =	vld.idx.msk [tilespmem:v1+s20+$0x20 ss:$0x1], $0xffff  }
.LBB1_3:
0x43: {  	p1 =	sne.s32 s21, $0xFE00;
	v8 =	vld.idx.msk [tilespmem:v1+s19+$0x30 ss:$0x1], $0xffff;
	[tilespmem:v0+s20+$0xFFFFFFA0 ss:$0x1] =	vst.idx.msk $0xffff, v7  }
0x44: {  	v9 =	vld.idx.msk [tilespmem:v1+s19+$0xFFFFFFC0 ss:$0x1], $0xffff;
	[tilespmem:v0+s20+$0xFFFFFFB0 ss:$0x1] =	vst.idx.msk $0xffff, v6  }
0x45: {  	v7 =	vld.idx.msk [tilespmem:v1+s19+$0xFFFFFFD0 ss:$0x1], $0xffff;
	[tilespmem:v0+s20+$0xFFFFFFC0 ss:$0x1] =	vst.idx.msk $0xffff, v5  }
.Ltmp3:
0x46: {  	v6 =	vld.idx.msk [tilespmem:v1+s19+$0xFFFFFFE0 ss:$0x1], $0xffff;
	[tilespmem:v0+s20+$0xFFFFFFD0 ss:$0x1] =	vst.idx.msk $0xffff, v3;
	(pc) =	sbr.rel @p1 .LBB1_3-.Ltmp3, $4  }
0x47: {  	v5 =	vld.idx.msk [tilespmem:v1+s19+$0xFFFFFFF0 ss:$0x1], $0xffff;
	[tilespmem:v0+s20+$0xFFFFFFE0 ss:$0x1] =	vst.idx.msk $0xffff, v2  }
0x48: {  	v3 =	vld.idx.msk [tilespmem:v1+s19+$0x0 ss:$0x1], $0xffff;
	[tilespmem:v0+s20+$0xFFFFFFF0 ss:$0x1] =	vst.idx.msk $0xffff, v4;
	s20 =	smov.u32 s19  }
0x49: {  	v2 =	vld.idx.msk [tilespmem:v1+s20+$0x10 ss:$0x1], $0xffff;
	[tilespmem:v0+s20+$0x0 ss:$0x1] =	vst.idx.msk $0xffff, v8  }
0x4a: {  	s19 =	sshra.s32 s21, $0x2;
	s21 =	sadd.s32 $0x200, s21;
	[tilespmem:v0+s20+$0xFFFFFF90 ss:$0x1] =	vst.idx.msk $0xffff, v9;
	v4 =	vld.idx.msk [tilespmem:v1+s20+$0x20 ss:$0x1], $0xffff  }
0x4b: {  	_ = 	snop  }
0x4c: {  	s21 =	sand.u32 $0x78, s8;
	p1 =	sgt.s32 s10, $0x1F7F;
	s22 =	smov.u32 s10  }
0x4d: {  	s23 =	sshra.s32 s10, $0x1F;
	s24 =	sshll.u32 s11, $0x7;
	s25 =	sshra.s32 s11, $0x1F  }
0x4e: {  	p2 =	sgt.s32 s8, $0x380;
	s28 =	sshra.s32 s8, $0x1F;
	s30 =	sshll.u32 s8, $0x2  }
0x4f: {  	[tilespmem:v0+s20+$0xFFFFFFA0 ss:$0x1] =	vst.idx.msk $0xffff, v7;
	s22 =	simm.s32 @!p1 $0x1F7F;
	s23 =	sand.u32 s23, s10;
	p1 =	sgt.s32 s11, $0x3  }
0x50: {  	v56 =	vld.idx.msk [tilespmem:v1+s19+$0x30 ss:$0x1], $0xffff;
	[tilespmem:v0+s20+$0xFFFFFFB0 ss:$0x1] =	vst.idx.msk $0xffff, v6;
	s24 =	sand.u32 $0x180, s24;
	s25 =	sand.u32 s25, s11;
	s29 =	sand.u32 s28, s8  }
0x51: {  	v57 =	vld.idx.msk [tilespmem:v1+s19+$0xFFFFFFC0 ss:$0x1], $0xffff;
	[tilespmem:v0+s20+$0xFFFFFFC0 ss:$0x1] =	vst.idx.msk $0xffff, v5;
	s22 =	ssub.s32 s22, s23;
	s23 =	smov.u32 s11;
	s21 =	sor.u32 s24, s21  }
0x52: {  	v58 =	vld.idx.msk [tilespmem:v1+s19+$0xFFFFFFD0 ss:$0x1], $0xffff;
	[tilespmem:v0+s20+$0xFFFFFFD0 ss:$0x1] =	vst.idx.msk $0xffff, v3;
	s24 =	sand.u32 $0x200, s30;
	s23 =	simm.s32 @!p1 $0x3;
	s26 =	sadd.s32 $0xFFFFE081, s22  }
0x53: {  	v59 =	vld.idx.msk [tilespmem:v1+s19+$0xFFFFFFE0 ss:$0x1], $0xffff;
	[tilespmem:v0+s20+$0xFFFFFFE0 ss:$0x1] =	vst.idx.msk $0xffff, v2;
	s21 =	sor.u32 s24, s21;
	s23 =	ssub.s32 s23, s25;
	p1 =	sgt.s32 s26, $0x7F  }
0x54: {  	v60 =	vld.idx.msk [tilespmem:v1+s19+$0xFFFFFFF0 ss:$0x1], $0xffff;
	s25 =	smov.u32 s8;
	[tilespmem:v0+s20+$0xFFFFFFF0 ss:$0x1] =	vst.idx.msk $0xffff, v4;
	s20 =	ssub.s32 $0x1FFF, s22;
	s26 =	sshrl.u32 s8, $0x1  }
0x55: {  	v61 =	vld.idx.msk [tilespmem:v1+s19+$0x0 ss:$0x1], $0xffff;
	s27 =	sadd.s32 $0xFFFFFFFD, s23;
	s25 =	simm.s32 @!p2 $0x380;
	s22 =	ssub.s32 $0x4, s23;
	[tilespmem:v0+s19+$0x0 ss:$0x1] =	vst.idx.msk $0xffff, v56  }
0x56: {  	v62 =	vld.idx.msk [tilespmem:v1+s19+$0x10 ss:$0x1], $0xffff;
	s20 =	simm.s32 @p1 $0x0;
	[tilespmem:v0+s19+$0xFFFFFF90 ss:$0x1] =	vst.idx.msk $0xffff, v57;
	p2 =	sgt.s32 s27, $0x0;
	s23 =	ssub.s32 s25, s29  }
0x57: {  	v63 =	vld.idx.msk [tilespmem:v1+s19+$0x20 ss:$0x1], $0xffff;
	[tilespmem:v0+s19+$0xFFFFFFA0 ss:$0x1] =	vst.idx.msk $0xffff, v58;
	s25 =	sshll.u32 s10, $0x9;
	s22 =	simm.s32 @p2 $0x0;
	s31 =	sadd.s32 $0xFFFFFC80, s23  }
0x58: {  	[tilespmem:v0+s19+$0xFFFFFFB0 ss:$0x1] =	vst.idx.msk $0xffff, v59;
	s20 =	smul.u32 s22, s20;
	p1 =	sgt.s32 s31, $0x7F;
	s22 =	ssub.s32 $0x400, s23  }
.Ltmp4:
0x59: {  	[tilespmem:v0+s19+$0xFFFFFFC0 ss:$0x1] =	vst.idx.msk $0xffff, v60;
	s27 =	sand.u32 $0x7, s8;
	s22 =	simm.s32 @p1 $0x0;
	(pc) =	sbr.rel .LBB1_5-.Ltmp4, $4  }
0x5a: {  	[tilespmem:v0+s19+$0xFFFFFFD0 ss:$0x1] =	vst.idx.msk $0xffff, v61;
	s23 =	sand.u32 $0x180, s26;
	s20 =	smul.u32 s22, s20;
	s22 =	sadd.s32 s2, s25  }
0x5b: {  	s21 =	sshrl.u32 s21, $0x3;
	[tilespmem:v0+s19+$0xFFFFFFE0 ss:$0x1] =	vst.idx.msk $0xffff, v62;
	s28 =	sshll.u32 s27, $0x12;
	s22 =	sadd.s32 s23, s22  }
0x5c: {  	[tilespmem:v0+s19+$0xFFFFFFF0 ss:$0x1] =	vst.idx.msk $0xffff, v63;
	s31 =	sor.u32 $0x80, s28;
	s29 =	sand.u32 $0x3FFFFFFF, s20;
	s30 =	sadd.s32 s21, s22  }
0x5d: {  	[hbm4b:s30+s31] =	stream.strided.scatter [tilespmem:s18], [sflag:$0x2], s29, s7, s31, $0x38;
	[tilespmem:$0x10000] =	vst v63  }
.LBB1_6:
0x5e: {  	_ =	sfence.sel $0x180000  }
0x5f: {  	s2 =	simm.s32 $0x1;
	[bflag:$0x0] =	sbarrier.arrive $0xFFFF  }
0x60: {  	s31 =	simm.s32 $0x2;
	[sflag:s2] =	ssyncpa.u1 $0x1  }
0x61: {  	[sflag:s31] =	ssyncpa.u1 $0x1  }
0x62: {  	p0 =	sne.s32 s1, $0x0;
	_ =	strace $0x90000047  }
0x63: {  	s0 =	sadd.s32 @!p0 $0x100000, s0;
	[bflag:$0x2] =	sbarrier.arrive $0xFFFF  }
0x64: {  	[sflag:s0] =	ssyncadd.tile.s32 @!p0 $0x1;
	_ =	shalt  }
.Lfunc_end1:
_tile_overlayer_lowered:
.L_overlay_start_2:
0x65: {  	(tag) =	ssettag $0x2  }
0x66: {  	s0 =	rddreg [dreg:$0x0];
	s2 =	stileid.u32  }
0x67: {  	s1 =	rddreg [dreg:$0x1];
	p0 =	sne.s32 s2, $0x0  }
0x68: {  	s3 =	rddreg [dreg:$0x2];
	[bflag:$0x3] =	sbarrier.arrive $0xFFFF;
	s2 =	simm.s32 @!p0 $0x1C01  }
0x69: {  	[timem:s3], [sflag:s2] =	dma.local @!p0 [hbm:s0], s1  }
0x6a: {  	s0 =	simm.s32 @!p0 $0x1  }
0x6b: {  	_ =	swait.ge @!p0 [sflag:s0], s1  }
0x6c: {  	s1 =	ssub.s32 @!p0 $0x0, s1;
	[sflag:s0] =	ssyncset.done @!p0 $0x0  }
0x6d: {  	[sflag:s0] =	ssyncadd.s32 @!p0 s1  }
0x6e: {  	[bflag:$0x3] =	sbarrier.arrive $0xFFFF  }
0x6f: {  	_ =	shalt  }

</sc_bundles>
